<compile_context>
chip_gen: v7x
topology: tpu7x:2x2x1
jax: 0.10.2.dev20260603
libtpu: 0.0.44.dev20260713+nightly
codegen_flags: <defaults>
</compile_context>

<pallas_src>
import jax
import jax.numpy as jnp
from jax import lax
from jax.experimental import pallas as pl
from jax.experimental.pallas import tpu as pltpu
from jax.experimental.pallas import tpu_sc as plsc

MAX_LEN = 1024
DIM = 256
T = 1024
EPAD = 2048
BB = 8
L = 16


def _sc_rel_sum(e_hbm, o_hbm, ebuf, obuf, sem):
    c = lax.axis_index("c")
    s = lax.axis_index("s")
    pltpu.async_copy(e_hbm.at[:, pl.ds(s * L, L)], ebuf, sem).wait()

    @pl.loop(1, EPAD - 1)
    def _(i):
        ebuf[i] = ebuf[i] + ebuf[i - 1]

    half = T // 2
    base = c * half

    @pl.loop(0, half)
    def _(k):
        gi = base + k
        t1 = 2 * MAX_LEN - 2 - gi
        t2 = jnp.where(gi == MAX_LEN - 1, EPAD - 1, MAX_LEN - 2 - gi)
        obuf[k] = ebuf[t1] - ebuf[t2]

    pltpu.async_copy(obuf, o_hbm.at[pl.ds(base, half), pl.ds(s * L, L)],
                     sem).wait()


def _tc_add(rs_ref, x_ref, o_ref):
    o_ref[:] = x_ref[:] + rs_ref[:][None]


def kernel(x, rel_embedding):
    b, t, d = x.shape
    e_pad = jnp.concatenate(
        [rel_embedding, jnp.zeros((1, d), rel_embedding.dtype)], axis=0)

    rel_sum = pl.kernel(
        _sc_rel_sum,
        out_type=jax.ShapeDtypeStruct((t, d), jnp.float32),
        mesh=plsc.VectorSubcoreMesh(core_axis_name="c", subcore_axis_name="s"),
        scratch_types=[
            pltpu.VMEM((EPAD, L), jnp.float32),
            pltpu.VMEM((T // 2, L), jnp.float32),
            pltpu.SemaphoreType.DMA,
        ],
        compiler_params=pltpu.CompilerParams(use_tc_tiling_on_sc=False),
    )(e_pad)

    return pl.pallas_call(
        _tc_add,
        grid=(b // BB,),
        in_specs=[
            pl.BlockSpec((t, d), lambda i: (0, 0)),
            pl.BlockSpec((BB, t, d), lambda i: (i, 0, 0)),
        ],
        out_specs=pl.BlockSpec((BB, t, d), lambda i: (i, 0, 0)),
        out_shape=jax.ShapeDtypeStruct((b, t, d), x.dtype),
    )(rel_sum, x)

# --- scband reference (transcript-rebuilt; emitter-appended) ---
"""Pipeline reference for scband-relative-positional-encoding-65644280152934 (READ-ONLY COPY).

The authoritative reference and input builder live on the scoring server;
editing this copy changes nothing except your own understanding.
"""

import jax, jax.numpy as jnp
import numpy as np

MAX_LEN = 1024
DIM = 256
B, T = 16, 1024


def setup_inputs(seed: int = 0) -> dict:
    key = jax.random.key(seed)
    k1, k2 = jax.random.split(key)
    x = jax.random.normal(k1, (B, T, DIM), dtype=jnp.float32)
    # learned parameter: nn.Embedding(2*max_len - 1, dim)
    rel_embedding = jax.random.normal(k2, (2 * MAX_LEN - 1, DIM), dtype=jnp.float32) * 0.02
    return {"x": x, "rel_embedding": rel_embedding}


def reference(x, rel_embedding):
    b, t, d = x.shape
    pos = jnp.arange(t)
    rel_pos = pos[None, :] - pos[:, None]                      # [T, T]
    rel_pos = jnp.clip(rel_pos, -MAX_LEN + 1, MAX_LEN - 1)
    rel_pos = rel_pos + (MAX_LEN - 1)                          # values in [0, 2*MAX_LEN-2]
    rel_emb = jnp.take(rel_embedding, rel_pos, axis=0)         # gather -> [T, T, D]
    rel_sum = jnp.sum(rel_emb, axis=1)                         # [T, D]
    rel_sum = jnp.broadcast_to(rel_sum[None, :, :], (b, t, d)) # [B, T, D]
    return x + rel_sum

if __name__ == "__main__":
    import jax
    _d = setup_inputs()
    print(jax.jit(kernel)(*tuple(_d.values())))

</pallas_src>

<mosaic_0001>
#map = affine_map<(d0, d1) -> (0, 0)>
module attributes {stable_mosaic.version = 14 : i64} {
  func.func @_sc_rel_sum(%arg0: i32, %arg1: i32, %arg2: memref<2048x256xf32, #tpu.memory_space<hbm>>, %arg3: memref<1024x256xf32, #tpu.memory_space<hbm>>, %arg4: memref<2048x16xf32, #tpu.memory_space<vmem>>, %arg5: memref<512x16xf32, #tpu.memory_space<vmem>>, %arg6: memref<!tpu.dma_semaphore, #tpu.memory_space<semaphore_mem>>) attributes {dimension_semantics = [#tpu.dimension_semantics<core_parallel>, #tpu.dimension_semantics<subcore_parallel>], iteration_bounds = array<i64: 2, 16>, scalar_prefetch = 0 : i64, scratch_operands = 3 : i64, tpu.core_type = #tpu.core_type<sc_vector_subcore>, window_params = [{transform_indices = #map}, {transform_indices = #map}]} {
    %mul3A = arith.constant 16 : i32
    %mul3A_0 = arith.muli %arg1, %mul3A : i32
    %dma_start3A = arith.constant 0 : i32
    %dma_start3A_1 = tpu.memref_slice %arg2[%dma_start3A, %mul3A_0] : memref<2048x256xf32, #tpu.memory_space<hbm>> -> memref<2048x16xf32, #tpu.memory_space<hbm>>
    %dma_start3A_2 = arith.constant 0 : i32
    %dma_start3A_3 = tpu.memref_slice %arg2[%dma_start3A_2, %mul3A_0] : memref<2048x256xf32, #tpu.memory_space<hbm>> -> memref<2048x16xf32, #tpu.memory_space<hbm>>
    tpu.enqueue_dma source(%dma_start3A_3 : memref<2048x16xf32, #tpu.memory_space<hbm>>) target(%arg4 : memref<2048x16xf32, #tpu.memory_space<vmem>>) target_semaphore(%arg6 : memref<!tpu.dma_semaphore, #tpu.memory_space<semaphore_mem>>)
    %dma_wait3A = arith.constant 0 : i32
    %dma_wait3A_4 = tpu.memref_slice %arg2[%dma_wait3A, %mul3A_0] : memref<2048x256xf32, #tpu.memory_space<hbm>> -> memref<2048x16xf32, #tpu.memory_space<hbm>>
    %dma_wait3A_5 = arith.constant 0 : i32
    %dma_wait3A_6 = tpu.memref_slice %arg2[%dma_wait3A_5, %mul3A_0] : memref<2048x256xf32, #tpu.memory_space<hbm>> -> memref<2048x16xf32, #tpu.memory_space<hbm>>
    tpu.wait_dma2 semaphore(%arg6 : memref<!tpu.dma_semaphore, #tpu.memory_space<semaphore_mem>>) src(%dma_wait3A_6 : memref<2048x16xf32, #tpu.memory_space<hbm>>) dst(%arg4 : memref<2048x16xf32, #tpu.memory_space<vmem>>)
    %scan3A = arith.constant 0 : i32
    %scan3A_7 = arith.constant 2046 : i32
    %scan3A_8 = arith.addi %scan3A, %scan3A_7 : i32
    %scan3A_9 = arith.constant 1 : i32
    scf.for %scan3A_24 = %scan3A to %scan3A_8 step %scan3A_9  : i32 {
      %mul3A_25 = arith.constant 1 : i32
      %mul3A_26 = arith.muli %scan3A_24, %mul3A_25 : i32
      %add3A = arith.constant 1 : i32
      %add3A_27 = arith.addi %add3A, %mul3A_26 : i32
      %get3A = arith.index_cast %add3A_27 : i32 to index
      %get3A_28 = arith.constant 0 : index
      %get3A_29 = tpu.vector_load %arg4[%get3A, %get3A_28] {strides = array<i32>} : memref<2048x16xf32, #tpu.memory_space<vmem>>, vector<1x16xf32>,
      %get3A_30 = vector.shape_cast %get3A_29 : vector<1x16xf32> to vector<16xf32>
      %sub3A = arith.constant 1 : i32
      %sub3A_31 = arith.subi %add3A_27, %sub3A : i32
      %get3A_32 = arith.index_cast %sub3A_31 : i32 to index
      %get3A_33 = arith.constant 0 : index
      %get3A_34 = tpu.vector_load %arg4[%get3A_32, %get3A_33] {strides = array<i32>} : memref<2048x16xf32, #tpu.memory_space<vmem>>, vector<1x16xf32>,
      %get3A_35 = vector.shape_cast %get3A_34 : vector<1x16xf32> to vector<16xf32>
      %add3A_36 = arith.addf %get3A_30, %get3A_35 : vector<16xf32>
      %swap3A = arith.index_cast %add3A_27 : i32 to index
      %swap3A_37 = arith.constant 0 : index
      %swap3A_38 = tpu.vector_load %arg4[%swap3A, %swap3A_37] {strides = array<i32>} : memref<2048x16xf32, #tpu.memory_space<vmem>>, vector<1x16xf32>,
      %swap3A_39 = vector.shape_cast %swap3A_38 : vector<1x16xf32> to vector<16xf32>
      %swap3A_40 = vector.shape_cast %add3A_36 : vector<16xf32> to vector<1x16xf32>
      tpu.vector_store %arg4[%swap3A, %swap3A_37], %swap3A_40 {strides = array<i32>} : memref<2048x16xf32, #tpu.memory_space<vmem>>, vector<1x16xf32>,
    }
    %scan3A_10 = arith.constant 2046 : i32
    %mul3A_11 = arith.constant 512 : i32
    %mul3A_12 = arith.muli %arg0, %mul3A_11 : i32
    %scan3A_13 = arith.constant 0 : i32
    %scan3A_14 = arith.constant 512 : i32
    %scan3A_15 = arith.addi %scan3A_13, %scan3A_14 : i32
    %scan3A_16 = arith.constant 1 : i32
    scf.for %scan3A_24 = %scan3A_13 to %scan3A_15 step %scan3A_16  : i32 {
      %mul3A_25 = arith.constant 1 : i32
      %mul3A_26 = arith.muli %scan3A_24, %mul3A_25 : i32
      %add3A = arith.constant 0 : i32
      %add3A_27 = arith.addi %add3A, %mul3A_26 : i32
      %add3A_28 = arith.addi %mul3A_12, %add3A_27 : i32
      %sub3A = arith.constant 2046 : i32
      %sub3A_29 = arith.subi %sub3A, %add3A_28 : i32
      %eq3A = arith.constant 1023 : i32
      %eq3A_30 = arith.cmpi eq, %add3A_28, %eq3A : i32
      %sub3A_31 = arith.constant 1022 : i32
      %sub3A_32 = arith.subi %sub3A_31, %add3A_28 : i32
      %jit3A = arith.constant 2047 : i32
      %select_n3A = arith.select %eq3A_30, %jit3A, %sub3A_32 : i32
      %get3A = arith.index_cast %sub3A_29 : i32 to index
      %get3A_33 = arith.constant 0 : index
      %get3A_34 = tpu.vector_load %arg4[%get3A, %get3A_33] {strides = array<i32>} : memref<2048x16xf32, #tpu.memory_space<vmem>>, vector<1x16xf32>,
      %get3A_35 = vector.shape_cast %get3A_34 : vector<1x16xf32> to vector<16xf32>
      %get3A_36 = arith.index_cast %select_n3A : i32 to index
      %get3A_37 = arith.constant 0 : index
      %get3A_38 = tpu.vector_load %arg4[%get3A_36, %get3A_37] {strides = array<i32>} : memref<2048x16xf32, #tpu.memory_space<vmem>>, vector<1x16xf32>,
      %get3A_39 = vector.shape_cast %get3A_38 : vector<1x16xf32> to vector<16xf32>
      %sub3A_40 = arith.subf %get3A_35, %get3A_39 : vector<16xf32>
      %swap3A = arith.index_cast %add3A_27 : i32 to index
      %swap3A_41 = arith.constant 0 : index
      %swap3A_42 = tpu.vector_load %arg5[%swap3A, %swap3A_41] {strides = array<i32>} : memref<512x16xf32, #tpu.memory_space<vmem>>, vector<1x16xf32>,
      %swap3A_43 = vector.shape_cast %swap3A_42 : vector<1x16xf32> to vector<16xf32>
      %swap3A_44 = vector.shape_cast %sub3A_40 : vector<16xf32> to vector<1x16xf32>
      tpu.vector_store %arg5[%swap3A, %swap3A_41], %swap3A_44 {strides = array<i32>} : memref<512x16xf32, #tpu.memory_space<vmem>>, vector<1x16xf32>,
    }
    %scan3A_17 = arith.constant 512 : i32
    %mul3A_18 = arith.constant 16 : i32
    %mul3A_19 = arith.muli %arg1, %mul3A_18 : i32
    %dma_start3A_20 = tpu.memref_slice %arg3[%mul3A_12, %mul3A_19] : memref<1024x256xf32, #tpu.memory_space<hbm>> -> memref<512x16xf32, #tpu.memory_space<hbm>>
    %dma_start3A_21 = tpu.memref_slice %arg3[%mul3A_12, %mul3A_19] : memref<1024x256xf32, #tpu.memory_space<hbm>> -> memref<512x16xf32, #tpu.memory_space<hbm>>
    tpu.enqueue_dma source(%arg5 : memref<512x16xf32, #tpu.memory_space<vmem>>) target(%dma_start3A_21 : memref<512x16xf32, #tpu.memory_space<hbm>>) target_semaphore(%arg6 : memref<!tpu.dma_semaphore, #tpu.memory_space<semaphore_mem>>)
    %dma_wait3A_22 = tpu.memref_slice %arg3[%mul3A_12, %mul3A_19] : memref<1024x256xf32, #tpu.memory_space<hbm>> -> memref<512x16xf32, #tpu.memory_space<hbm>>
    %dma_wait3A_23 = tpu.memref_slice %arg3[%mul3A_12, %mul3A_19] : memref<1024x256xf32, #tpu.memory_space<hbm>> -> memref<512x16xf32, #tpu.memory_space<hbm>>
    tpu.wait_dma2 semaphore(%arg6 : memref<!tpu.dma_semaphore, #tpu.memory_space<semaphore_mem>>) src(%arg5 : memref<512x16xf32, #tpu.memory_space<vmem>>) dst(%dma_wait3A_23 : memref<512x16xf32, #tpu.memory_space<hbm>>)
    return
  }
}

module attributes {stable_mosaic.version = 14 : i64} {
  func.func @_tc_add(%arg0: i32, %arg1: memref<1024x256xf32, #tpu.memory_space<vmem>>, %arg2: memref<8x1024x256xf32, #tpu.memory_space<vmem>>, %arg3: memref<8x1024x256xf32, #tpu.memory_space<vmem>>) attributes {dimension_semantics = [#tpu.dimension_semantics<arbitrary>], iteration_bounds = array<i64: 2>, scalar_prefetch = 0 : i64, scratch_operands = 0 : i64, tpu.core_type = #tpu.core_type<tc>, window_params = [{pipeline_mode = #tpu.pipeline_mode<synchronous>, transform_indices = @transform_0, window_bounds = array<i64: 1024, 256>}, {transform_indices = @transform_1, window_bounds = array<i64: 8, 1024, 256>}, {transform_indices = @transform_2, window_bounds = array<i64: 8, 1024, 256>}]} {
    %get3A = arith.constant 0 : index
    %get3A_0 = arith.constant 0 : index
    %get3A_1 = arith.constant 0 : index
    %get3A_2 = vector.load %arg2[%get3A, %get3A_0, %get3A_1] : memref<8x1024x256xf32, #tpu.memory_space<vmem>>, vector<8x1024x256xf32>
    %get3A_3 = arith.constant 0 : index
    %get3A_4 = arith.constant 0 : index
    %get3A_5 = vector.load %arg1[%get3A_3, %get3A_4] : memref<1024x256xf32, #tpu.memory_space<vmem>>, vector<1024x256xf32>
    %broadcast_in_dim3A = vector.shape_cast %get3A_5 : vector<1024x256xf32> to vector<1x1024x256xf32>
    %add3A = vector.broadcast %broadcast_in_dim3A : vector<1x1024x256xf32> to vector<8x1024x256xf32>
    %add3A_6 = arith.addf %get3A_2, %add3A : vector<8x1024x256xf32>
    %swap3A = arith.constant 0 : index
    %swap3A_7 = arith.constant 0 : index
    %swap3A_8 = arith.constant 0 : index
    %swap3A_9 = vector.load %arg3[%swap3A, %swap3A_7, %swap3A_8] : memref<8x1024x256xf32, #tpu.memory_space<vmem>>, vector<8x1024x256xf32>
    tpu.vector_store %arg3[%swap3A, %swap3A_7, %swap3A_8], %add3A_6 {strides = array<i32>} : memref<8x1024x256xf32, #tpu.memory_space<vmem>>, vector<8x1024x256xf32>,
    return
  }
  func.func @transform_0(%arg0: i32) -> (i32, i32) {
    %c0_i32 = arith.constant 0 : i32
    %c0_i32_0 = arith.constant 0 : i32
    %c0_i32_1 = arith.constant 0 : i32
    return %c0_i32, %c0_i32_0 : i32, i32
  }
  func.func @transform_1(%arg0: i32) -> (i32, i32, i32) {
    %c0_i32 = arith.constant 0 : i32
    %c0_i32_0 = arith.constant 0 : i32
    %c0_i32_1 = arith.constant 0 : i32
    return %arg0, %c0_i32, %c0_i32_0 : i32, i32, i32
  }
  func.func @transform_2(%arg0: i32) -> (i32, i32, i32) {
    %c0_i32 = arith.constant 0 : i32
    %c0_i32_0 = arith.constant 0 : i32
    %c0_i32_1 = arith.constant 0 : i32
    return %arg0, %c0_i32, %c0_i32_0 : i32, i32, i32
  }
}

</mosaic_0001>

<sc_bundles>
// kernel: kernel.4.cloned.1.call-start
scs
__scs_entry_jumppad:
0x0: {  	(pc) =	sbr.rel $0x88, $3  }
0x1: {  	(tag) =	ssettag $0x0;
	lr =	simm.s32 $0x1  }
0x2: {  	[smem:$0x3F9F] =	sst lr;
	_ =	strace $0xD0000000  }
0x3: {  	_ = 	snop  }
0x4: {  	_ = 	snop  }
0x5: {  	_ = 	snop  }
0x6: {  	_ = 	snop  }
0x7: {  	_ = 	snop  }
__scs_overlays_trampoline_lowered:
0x8: {  	[smem:$0x3FAE] =	sst s0  }
0x9: {  	[smem:$0x3FAF] =	sst s1  }
0xa: {  	[smem:$0x3FB0] =	sst s2  }
0xb: {  	[smem:$0x3FB1] =	sst s3  }
0xc: {  	[smem:$0x3FB2] =	sst s4  }
0xd: {  	[smem:$0x3FB3] =	sst s5  }
0xe: {  	[smem:$0x3FB4] =	sst s6  }
0xf: {  	[smem:$0x3FB5] =	sst s7  }
0x10: {  	[smem:$0x3FB6] =	sst s8  }
0x11: {  	[smem:$0x3FB7] =	sst s9;
	s0 =	simm.s32 @!p0 $0x0  }
0x12: {  	s1 =	sld [smem:$0x3F9D];
	s0 =	simm.s32 @p0 $0x1  }
0x13: {  	[smem:$0x3FB8] =	sst s0;
	s0 =	simm.s32 @!p1 $0x0  }
0x14: {  	s2 =	sld [smem:$0x3F9C];
	s0 =	simm.s32 @p1 $0x1  }
0x15: {  	[smem:$0x3FB9] =	sst s0;
	s0 =	simm.s32 @!p2 $0x0  }
0x16: {  	s3 =	sld [smem:$0x3FDB];
	s0 =	simm.s32 @p2 $0x1  }
0x17: {  	s4 =	simm.s32 $0x1BF5;
	[smem:$0x3FBB] =	sst s0  }
0x18: {  	s0 =	sld [smem:$0x3F9E];
	_ =	swait.ge [sflag:s4], $0x0  }
0x19: {  	s7 =	sld [smem:$0x3F9F]  }
0x1a: {  	s8 =	sadd.s32 $0xFFFFE003, lr  }
0x1b: {  	s9 =	sadd.s32 $0xFFFFFEF7, lr;
	s5 =	simm.s32 $0xFFFFFFFF;
	p2 =	slt.u32 s8, $0xFFFFF086  }
0x1c: {  	p1 =	slt.u32 s9, $0xF7A;
	s5 =	simm.s32 @!p2 $0x0  }
0x1d: {  	s5 =	simm.s32 @p1 $0x1;
	p0 =	seq.s32 s7, s2  }
0x1e: {  	s7 =	smul.u32 @!p0 $0xF7A, s2;
	p2 =	seq.s32 @!p0 s5, $0x0  }
0x1f: {  	s9 =	smul.u32 $0xF7A, s1;
	s8 =	simm.s32 @!p0 $0x1BF5;
	p2 =	por !p2, p0  }
0x20: {  	[sflag:s8] =	ssyncset.s32 @!p0 $0xFFFFF086;
	s6 =	sadd.s32 @!p0 s3, s7;
	s7 =	simm.s32 @!p0 $0x108  }
0x21: {  	s3 =	sadd.s32 s3, s9;
	s6 =	sadd.s32 @!p0 $0x88, s6;
	s7 =	simm.s32 @p2 $0x1082  }
0x22: {  	[simem:s7], [sflag:s8] =	dma.local @!p0 [hbm:s6], $0xF7A  }
0x23: {  	s9 =	sor.u32 $0xD0000000, s2;
	s6 =	simm.s32 $0x108;
	_ =	swait.ge @!p0 [sflag:s8], $0x0  }
0x24: {  	s3 =	sadd.s32 $0x88, s3;
	s6 =	simm.s32 @!p1 $0x1082;
	[sflag:s4] =	ssyncset.s32 $0xFFFFF086  }
0x25: {  	[simem:s6], [sflag:s4] =	dma.local [hbm:s3], $0xF7A  }
0x26: {  	[smem:$0x3F9F] =	sst s1;
	(tag) =	ssettag s2;
	_ =	strace s9  }
0x27: {  	s1 =	sld [smem:$0x3FAF]  }
0x28: {  	s2 =	sld [smem:$0x3FB0]  }
0x29: {  	s4 =	sld [smem:$0x3FB2]  }
0x2a: {  	p0 =	seq.s32 s5, $0x0;
	s5 =	sld [smem:$0x3FB3]  }
0x2b: {  	s6 =	sld [smem:$0x3FB4]  }
0x2c: {  	s7 =	sld [smem:$0x3FB5]  }
0x2d: {  	s3 =	simm.s32 $0x108;
	s8 =	sld [smem:$0x3FB6]  }
0x2e: {  	s3 =	simm.s32 @!p0 $0x1082;
	s9 =	sld [smem:$0x3FB7]  }
0x2f: {  	lr =	sadd.s32 s0, s3;
	s0 =	sld [smem:$0x3FAE]  }
0x30: {  	s3 =	sld [smem:$0x3FB1]  }
0x31: {  	[smem:$0x3FBA] =	sst s10  }
0x32: {  	s10 =	sld [smem:$0x3FB8];
	_ =	sdelay $0x3  }
0x33: {  	p0 =	seq.s32 s10, $0x1;
	s10 =	sld [smem:$0x3FBA];
	_ =	sdelay $0x3  }
0x34: {  	[smem:$0x3FBA] =	sst s10  }
0x35: {  	s10 =	sld [smem:$0x3FB9];
	_ =	sdelay $0x3  }
0x36: {  	p1 =	seq.s32 s10, $0x1;
	s10 =	sld [smem:$0x3FBA];
	_ =	sdelay $0x3  }
0x37: {  	[smem:$0x3FBA] =	sst s10  }
0x38: {  	s10 =	sld [smem:$0x3FBB]  }
0x39: {  	_ = 	snop;
	(pc) =	sbr.ind lr, $3  }
0x3a: {  	_ = 	snop  }
0x3b: {  	_ = 	snop  }
0x3c: {  	p2 =	seq.s32 s10, $0x1;
	s10 =	sld [smem:$0x3FBA]  }
0x3d: {  	_ =	shalt  }
0x3e: {  	_ =	shalt  }
0x3f: {  	_ =	shalt  }
0x40: {  	_ =	shalt  }
0x41: {  	_ =	shalt  }
0x42: {  	_ =	shalt  }
0x43: {  	_ =	shalt  }
0x44: {  	_ =	shalt  }
0x45: {  	_ =	shalt  }
0x46: {  	_ =	shalt  }
0x47: {  	_ =	shalt  }
0x48: {  	_ =	shalt  }
0x49: {  	_ =	shalt  }
0x4a: {  	_ =	shalt  }
0x4b: {  	_ =	shalt  }
0x4c: {  	_ =	shalt  }
0x4d: {  	_ =	shalt  }
0x4e: {  	_ =	shalt  }
0x4f: {  	_ =	shalt  }
0x50: {  	_ =	shalt  }
0x51: {  	_ =	shalt  }
0x52: {  	_ =	shalt  }
0x53: {  	_ =	shalt  }
0x54: {  	_ =	shalt  }
0x55: {  	_ =	shalt  }
0x56: {  	_ =	shalt  }
0x57: {  	_ =	shalt  }
0x58: {  	_ =	shalt  }
0x59: {  	_ =	shalt  }
0x5a: {  	_ =	shalt  }
0x5b: {  	_ =	shalt  }
0x5c: {  	_ =	shalt  }
0x5d: {  	_ =	shalt  }
0x5e: {  	_ =	shalt  }
0x5f: {  	_ =	shalt  }
0x60: {  	_ =	shalt  }
0x61: {  	_ =	shalt  }
0x62: {  	_ =	shalt  }
0x63: {  	_ =	shalt  }
0x64: {  	_ =	shalt  }
0x65: {  	_ =	shalt  }
0x66: {  	_ =	shalt  }
0x67: {  	_ =	shalt  }
0x68: {  	_ =	shalt  }
0x69: {  	_ =	shalt  }
0x6a: {  	_ =	shalt  }
0x6b: {  	_ =	shalt  }
0x6c: {  	_ =	shalt  }
0x6d: {  	_ =	shalt  }
0x6e: {  	_ =	shalt  }
0x6f: {  	_ =	shalt  }
0x70: {  	_ =	shalt  }
0x71: {  	_ =	shalt  }
0x72: {  	_ =	shalt  }
0x73: {  	_ =	shalt  }
0x74: {  	_ =	shalt  }
0x75: {  	_ =	shalt  }
0x76: {  	_ =	shalt  }
0x77: {  	_ =	shalt  }
0x78: {  	_ =	shalt  }
0x79: {  	_ =	shalt  }
0x7a: {  	_ =	shalt  }
0x7b: {  	_ =	shalt  }
0x7c: {  	_ =	shalt  }
0x7d: {  	_ =	shalt  }
0x7e: {  	_ =	shalt  }
0x7f: {  	_ =	shalt  }
0x80: {  	_ =	shalt  }
0x81: {  	_ =	shalt  }
0x82: {  	_ =	shalt  }
0x83: {  	_ =	shalt  }
0x84: {  	_ =	shalt  }
0x85: {  	_ =	shalt  }
0x86: {  	_ =	shalt  }
0x87: {  	_ =	shalt  }
.Lfunc_end0:
.L_simem_size_0:
called_computation_lowered:
.L_overlay_start_0:
0x88: {  	s2 =	sld [smem:$0x3FD9]  }
0x89: {  	s3 =	sld [smem:$0x3FFE];
	_ =	sdelay $0x1  }
0x8a: {  	s1 =	srdreg.scid  }
0x8b: {  	s0 =	sand.u32 $0x1, s1  }
0x8c: {  	s17 =	sshll.u32 s0, $0xA;
	s2 =	sadd.s32 s3, s2  }
0x8d: {  	s2 =	sadd.s32 s2, s17  }
0x8e: {  	[smem:$0x3FC6] =	sst s2  }
0x8f: {  	_ = 	snop  }
0x90: {  	s2 =	sld [smem:$0x3FD0];
	(tm) =	ssettm $0x1  }
0x91: {  	s18 =	sld [smem:$0x3FFB];
	_ =	sdelay $0x3  }
0x92: {  	_ =	strace s18  }
0x93: {  	s3 =	sld [smem:$0x3FFC];
	_ =	sdelay $0x3  }
0x94: {  	_ =	strace s3  }
0x95: {  	s3 =	sld [smem:$0x3FFD];
	_ =	sdelay $0x3  }
0x96: {  	_ =	strace s3  }
0x97: {  	_ =	strace $0x8FFFFFFF  }
0x98: {  	s19 =	sld [smem:$0x3FDB];
	_ =	sdelay $0x1  }
0x99: {  	s4 =	simm.s32 $_scs_section_size  }
0x9a: {  	s5 =	simm.s32 $_size__tile_overlayer_lowered;
	s6 =	simm.s32 $_tile_overlayer_lowered  }
0x9b: {  	s22 =	simm.s32 $0x1BFF;
	s21 =	sshll.u32 s6, $0x1;
	s3 =	sadd.s32 s4, s19  }
0x9c: {  	s7 =	simm.s32 $0x0;
	s20 =	sshll.u32 s5, $0x1;
	s5 =	sadd.s32 s21, s3  }
0x9d: {  	[timem:s7], [sflag:s22] =	dma.local [hbm:s5], s20  }
0x9e: {  	_ =	swait.ge [sflag:s22], s20  }
0x9f: {  	s4 =	ssub.s32 $0x0, s20;
	[sflag:s22] =	ssyncset.done $0x0  }
0xa0: {  	[sflag:s22] =	ssyncadd.s32 s4;
	_ =	sdelay $0x1  }
0xa1: {  	s23 =	simm.s32 $0x1B8B  }
0xa2: {  	_ =	swait.ge [sflag:s23], $0x1  }
0xa3: {  	[sflag:s23] =	ssyncset.done $0x0  }
0xa4: {  	s25 =	simm.s32 $0x1B8E;
	s24 =	sld [smem:$0x3FFE];
	[sflag:s23] =	ssyncadd.s32 $0xFFFFFFFF  }
0xa5: {  	s26 =	simm.s32 $execute0_lowered;
	[smem:$0x3FD2] =	sst s25  }
0xa6: {  	s5 =	sshll.u32 s26, $0x1;
	_ =	strace $0x80000046;
	[dreg:$0x1] =	wrdreg $0xFFFFFFFF  }
0xa7: {  	s28 =	simm.s32 $_size_execute0_lowered;
	s3 =	sadd.s32 s3, s5;
	[dreg:$0x0] =	wrdreg $0x0  }
0xa8: {  	s5 =	sshll.u32 s28, $0x1;
	[dreg:$0x2] =	wrdreg s3  }
0xa9: {  	[dreg:$0x3] =	wrdreg s5  }
0xaa: {  	[dreg:$0x4] =	wrdreg $0xC0  }
0xab: {  	_ =	task [dreg:s7], $0x5FFFF  }
0xac: {  	[dreg:$0x1] =	wrdreg $0xFFFFFFFF  }
0xad: {  	[dreg:$0x0] =	wrdreg $0x60  }
0xae: {  	[dreg:$0x2] =	wrdreg s2  }
0xaf: {  	[dreg:$0x3] =	wrdreg s24  }
0xb0: {  	[dreg:$0x4] =	wrdreg $0x9  }
0xb1: {  	_ =	task.clear_ibuf [dreg:s7], $0x5FFFF;
	_ =	strace $0x90000046  }
0xb2: {  	s29 =	simm.s32 $0x9;
	_ =	strace $0x80000048  }
0xb3: {  	_ =	swait.ge [sflag:s29], $0x1  }
0xb4: {  	[sflag:s29] =	ssyncadd.s32 $0xFFFFFFFF  }
0xb5: {  	_ =	strace $0x90000048  }
0xb6: {  	_ =	sfence  }
0xb7: {  	s30 =	sld [smem:$0x0];
	_ =	sdelay $0x2  }
0xb8: {  	s31 =	sshll.u32 s1, $0xD;
	s1 =	sshrl.u32 s1, $0x2  }
0xb9: {  	s3 =	sand.u32 $0x4000, s31;
	s1 =	sadd.s32 s1, s30  }
0xba: {  	s0 =	sor.u32 s3, s0;
	s1 =	sshll.u32 s1, $0x11  }
0xbb: {  	s0 =	sor.u32 s1, s0  }
0xbc: {  	s0 =	sadd.s32 $0x8F2B, s0  }
0xbd: {  	[sflag:s0] =	ssyncadd.remote.s32 $0x1  }
0xbe: {  	_ =	sfence.sel $0xFFFF  }
0xbf: {  	[dreg:$0x0] =	wrdreg $0xFFFFFFFF;
	(pc) =	sbr.abs _section_cstart, $3  }
0xc0: {  	[dreg:$0x1] =	wrdreg $0xFFFFFFFF  }
0xc1: {  	_ =	task.clear_ibuf [dreg:s7], $0x2FFFF;
	_ =	strace $0x9FFFFFFF  }
0xc2: {  	(tm) =	ssettm $0x7FFFFFFF  }
0xc3: {  	_ =	shalt  }
tec
execute0_lowered:
.L_overlay_start_1:
0x0: {  	(tag) =	ssettag $0x1  }
0x1: {  	s3 =	rddreg [dreg:$0x0]  }
0x2: {  	s4 =	rddreg [dreg:$0x1];
	s1 =	srdreg.scid  }
0x3: {  	s0 =	rddreg [dreg:$0x2];
	s2 =	simm.s32 $0x0;
	s9 =	simm.s32 $0x100  }
0x4: {  	s10 =	simm.s32 $0x1;
	s11 =	simm.s32 $0x8000;
	s12 =	simm.s32 $0x0  }
0x5: {  	s5 =	sand.u32 $0x1, s1;
	[smem:$0x7FF] =	sst s2;
	s1 =	stileid.u32  }
0x6: {  	s6 =	ssub.s32 $0x2, s5;
	_ =	strace $0x80000047;
	s7 =	sshll.u32 s1, $0x1  }
0x7: {  	s30 =	sshll.u32 s5, $0xE;
	s31 =	sshll.u32 s5, $0xD;
	s8 =	sshrl.u32 s6, $0x1  }
0x8: {  	s4 =	sadd.s32 s7, s4;
	s3 =	sadd.s32 s3, s7;
	s7 =	sxor.u32 $0x7FE0, s31  }
0x9: {  	s6 =	ssub.s32 s6, s8;
	s4 =	sadd.s32 s30, s4;
	s8 =	simm.s32 $0x10  }
0xa: {  	s4 =	sadd.s32 $0x600, s4;
	s5 =	smax.u32 s6, $0x1;
	s6 =	sxor.u32 $0x3FE0, s31  }
.LBB2_1:
0xb: {  	[tilespmem:s2], [sflag:$0x1] =	stream.strided.gather [hbm4b:s3+s8], $0x8000, s9, s8, $0x38;
	[tilespmem:$0xA000] =	vst v63  }
0xc: {  	_ =	swait.ge [sflag:s10], $0x8000  }
0xd: {  	[sflag:s10] =	ssyncset.done $0x0  }
0xe: {  	[sflag:s10] =	ssyncadd.s32 $0xFFFF8000  }
0xf: {  	s13 =	simm.s32 $0x10;
	s14 =	simm.s32 $0x80;
	v0 =	vld [tilespmem:$0x0]  }
.LBB2_2:
0x10: {  	p0 =	sne.s32 s14, $0x1FF80;
	v1 =	vld [tilespmem:s13+$0x0];
	_ =	sdelay $0x2  }
.Ltmp0:
0x11: {  	(pc) =	sbr.rel @p0 .LBB2_2-.Ltmp0, $3  }
0x12: {  	_ = 	snop  }
0x13: {  	v0 =	vadd.f32 v0, v1;
	_ =	sdelay $0x1  }
0x14: {  	[tilespmem:s13+$0x0] =	vst v0;
	s13 =	sshra.s32 s14, $0x2;
	s14 =	sadd.s32 $0x40, s14  }
0x15: {  	v1 =	vld [tilespmem:s13+$0x0];
	_ =	sdelay $0x4  }
0x16: {  	v0 =	vadd.f32 v0, v1  }
0x17: {  	p0 =	seq.s32 s6, $0xFFFFFFF0;
	s14 =	smov.u32 s6  }
0x18: {  	s14 =	simm.s32 @p0 $0x7FF0;
	[tilespmem:s13+$0x0] =	vst v0  }
0x19: {  	v0 =	vld [tilespmem:s14+$0x0]  }
0x1a: {  	v63 =	vld [tilespmem:s7+$0x0];
	_ =	sdelay $0x4  }
0x1b: {  	s15 =	simm.s32 $0x0;
	s14 =	sadd.s32 $0xFFFFFFF0, s6;
	v0 =	vsub.f32 v63, v0  }
0x1c: {  	s16 =	simm.s32 $0x80;
	p0 =	seq.s32 s14, $0xFFFFFFF0;
	s17 =	smov.u32 s14  }
0x1d: {  	s13 =	simm.s32 $0x40;
	s17 =	simm.s32 @p0 $0x7FF0;
	[tilespmem:s15+$0x8000] =	vst v0;
	s15 =	smov.u32 s7  }
.LBB2_4:
0x1e: {  	p0 =	sne.s32 s16, $0x7FC0;
	v0 =	vld [tilespmem:s17+$0x0];
	s15 =	sadd.s32 $0xFFFFFFF0, s15  }
0x1f: {  	v1 =	vld [tilespmem:s15+$0x0];
	_ =	sdelay $0x2  }
.Ltmp1:
0x20: {  	(pc) =	sbr.rel @p0 .LBB2_4-.Ltmp1, $4  }
0x21: {  	_ = 	snop  }
0x22: {  	s14 =	sadd.s32 $0xFFFFFFF0, s14;
	s18 =	sshra.s32 s13, $0x2;
	v0 =	vsub.f32 v1, v0  }
0x23: {  	s13 =	smov.u32 s16;
	p1 =	seq.s32 s14, $0xFFFFFFF0;
	s17 =	smov.u32 s14  }
0x24: {  	s16 =	sadd.s32 $0x40, s16;
	s17 =	simm.s32 @p1 $0x7FF0;
	[tilespmem:s18+$0x8000] =	vst v0  }
0x25: {  	v0 =	vld [tilespmem:s17+$0x0];
	s14 =	sadd.s32 $0xFFFFFFF0, s15  }
0x26: {  	v1 =	vld [tilespmem:s14+$0x0];
	_ =	sdelay $0x4  }
0x27: {  	s12 =	sadd.s32 $0x1, s12;
	v0 =	vsub.f32 v1, v0  }
0x28: {  	s13 =	sshra.s32 s13, $0x2;
	p0 =	sne.s32 s12, s5  }
.Ltmp2:
0x29: {  	[tilespmem:s13+$0x8000] =	vst v0;
	(pc) =	sbr.rel @p0 .LBB2_1-.Ltmp2, $4  }
0x2a: {  	[hbm4b:s4+s8] =	stream.strided.scatter [tilespmem:s11], [sflag:$0x1], $0x2000, s9, s8, $0x38;
	[tilespmem:$0xA000] =	vst v63  }
0x2b: {  	_ =	swait.ge [sflag:s10], $0x2000  }
0x2c: {  	[sflag:s10] =	ssyncset.done $0x0  }
0x2d: {  	[sflag:s10] =	ssyncadd.s32 $0xFFFFE000  }
0x2e: {  	_ =	sfence.sel $0x180000  }
0x2f: {  	[bflag:$0x0] =	sbarrier.arrive $0xFFFF  }
0x30: {  	p0 =	sne.s32 s1, $0x0;
	_ =	strace $0x90000047  }
0x31: {  	s0 =	sadd.s32 @!p0 $0x100000, s0;
	[bflag:$0x2] =	sbarrier.arrive $0xFFFF  }
0x32: {  	[sflag:s0] =	ssyncadd.tile.s32 @!p0 $0x1;
	_ =	shalt  }
.Lfunc_end2:
_tile_overlayer_lowered:
.L_overlay_start_2:
0x33: {  	(tag) =	ssettag $0x2  }
0x34: {  	s0 =	rddreg [dreg:$0x0];
	s2 =	stileid.u32  }
0x35: {  	s1 =	rddreg [dreg:$0x1];
	p0 =	sne.s32 s2, $0x0  }
0x36: {  	s3 =	rddreg [dreg:$0x2];
	[bflag:$0x3] =	sbarrier.arrive $0xFFFF;
	s2 =	simm.s32 @!p0 $0x1C02  }
0x37: {  	[timem:s3], [sflag:s2] =	dma.local @!p0 [hbm:s0], s1  }
0x38: {  	s0 =	simm.s32 @!p0 $0x2  }
0x39: {  	_ =	swait.ge @!p0 [sflag:s0], s1  }
0x3a: {  	s1 =	ssub.s32 @!p0 $0x0, s1;
	[sflag:s0] =	ssyncset.done @!p0 $0x0  }
0x3b: {  	[sflag:s0] =	ssyncadd.s32 @!p0 s1  }
0x3c: {  	[bflag:$0x3] =	sbarrier.arrive $0xFFFF  }
0x3d: {  	_ =	shalt  }

</sc_bundles>
